<compile_context>
chip_gen: v7x
topology: tpu7x:2x2x1
jax: 0.10.2.dev20260603
libtpu: 0.0.44.dev20260713+nightly
codegen_flags: <defaults>
</compile_context>

<pallas_src>
import functools

import jax
import jax.numpy as jnp
from jax import lax
from jax.experimental import pallas as pl
from jax.experimental.pallas import tpu as pltpu
from jax.experimental.pallas import tpu_sc as plsc

B = 4096
V = 100000
D_SUB = 8
D_ENC = 8
C_IN = 16
L = 200
K = 6
H = 128
MAX_NORM = 5.0

_NC = 2
_NS = 16
_NW = _NC * _NS
_BPW = B // _NW

_RPG = 128 // D_SUB
_VG = V * D_SUB // 128

_BB = 128
_NB = B // _BB
_W = 2 * (K - 1) + 1


def _gather_rows(table_view, idxq):
    mesh = plsc.VectorSubcoreMesh(core_axis_name="c", subcore_axis_name="s")

    @functools.partial(
        pl.kernel,
        mesh=mesh,
        out_type=jax.ShapeDtypeStruct((B, 128), jnp.float32),
        scratch_types=[
            pltpu.VMEM((_BPW,), jnp.int32),
            pltpu.VMEM((_BPW, 128), jnp.float32),
            pltpu.SemaphoreType.DMA,
        ],
    )
    def k(table_hbm, idx_hbm, out_hbm, idx_v, rows_v, sem):
        wid = lax.axis_index("s") * _NC + lax.axis_index("c")
        base = wid * _BPW
        pltpu.sync_copy(idx_hbm.at[pl.ds(base, _BPW)], idx_v)
        pltpu.async_copy(table_hbm.at[idx_v], rows_v, sem).wait()
        pltpu.sync_copy(rows_v, out_hbm.at[pl.ds(base, _BPW)])

    return k(table_view, idxq)


def _encoder_body(pos_ref, phase_ref, gath_ref, hist_ref, w1f_ref, b1_ref,
                  w2f_ref, b2_ref, out_ref):
    pos = pos_ref[...]
    stp = 16 * pos
    a = stp // 256
    rr = stp - 256 * a
    acc = hist_ref[:, 0:416]
    for aa in range(1, 13):
        acc = jnp.where(a == aa, hist_ref[:, 256 * aa:256 * aa + 416], acc)
    c128 = rr >= 128
    r1 = rr - 128 * c128.astype(jnp.int32)
    acc = jnp.where(c128, acc[:, 128:416], acc[:, 0:288])
    c64 = r1 >= 64
    r2 = r1 - 64 * c64.astype(jnp.int32)
    acc = jnp.where(c64, acc[:, 64:288], acc[:, 0:224])
    c32 = r2 >= 32
    r3 = r2 - 32 * c32.astype(jnp.int32)
    acc = jnp.where(c32, acc[:, 32:224], acc[:, 0:192])
    c16 = r3 >= 16
    W = jnp.where(c16, acc[:, 16:192], acc[:, 0:176])
    W = W.astype(jnp.float32)
    w1f = w1f_ref[...]
    b1 = b1_ref[...]
    rs = []
    for t in range(K):
        patch = W[:, 16 * t:16 * t + K * C_IN]
        r = jnp.dot(patch, w1f, preferred_element_type=jnp.float32) + b1
        r = jnp.maximum(r, 0.0)
        valid = (pos >= (K - 1) - t).astype(jnp.float32)
        rs.append(r * valid)
    h1 = jnp.concatenate(rs, axis=1)
    enc = jnp.dot(h1, w2f_ref[...], preferred_element_type=jnp.float32)
    enc = enc + b2_ref[...]
    G = gath_ref[...]
    ph = phase_ref[...]
    sub = jnp.zeros((_BB, D_SUB), jnp.float32)
    for c in range(_RPG):
        m = (ph == c).astype(jnp.float32)
        sub = sub + G[:, c * D_SUB:(c + 1) * D_SUB] * m
    n2 = jnp.sum(sub * sub, axis=1, keepdims=True)
    norm = jnp.sqrt(n2)
    scale = jnp.minimum(1.0, MAX_NORM / jnp.maximum(norm, 1e-7))
    out_ref[...] = jnp.concatenate([sub * scale, enc], axis=1)


def kernel(indices, history, history_lengths, table, w1, b1, w2, b2):
    idx = indices.astype(jnp.int32)
    pos2 = jnp.clip(history_lengths.astype(jnp.int32) - 1, 0, L - 1)
    pos2 = pos2.reshape(B, 1)
    table_view = table.reshape(_VG, 128)
    idxq = idx // _RPG
    phase2 = (idx % _RPG).reshape(B, 1)
    gath = _gather_rows(table_view, idxq)

    hist_flat = jnp.pad(
        history.astype(jnp.bfloat16).transpose(0, 2, 1).reshape(B, C_IN * L),
        ((0, 0), (160, 224)))

    w1f = w1.transpose(2, 1, 0).reshape(K * C_IN, H)
    w2f = w2.transpose(2, 1, 0).reshape(K * H, D_ENC)
    b1r = b1.reshape(1, H)
    b2r = b2.reshape(1, D_ENC)

    out = pl.pallas_call(
        _encoder_body,
        grid=(_NB,),
        in_specs=[
            pl.BlockSpec((_BB, 1), lambda i: (i, 0)),
            pl.BlockSpec((_BB, 1), lambda i: (i, 0)),
            pl.BlockSpec((_BB, 128), lambda i: (i, 0)),
            pl.BlockSpec((_BB, 3584), lambda i: (i, 0)),
            pl.BlockSpec((K * C_IN, H), lambda i: (0, 0)),
            pl.BlockSpec((1, H), lambda i: (0, 0)),
            pl.BlockSpec((K * H, D_ENC), lambda i: (0, 0)),
            pl.BlockSpec((1, D_ENC), lambda i: (0, 0)),
        ],
        out_specs=pl.BlockSpec((_BB, D_SUB + D_ENC), lambda i: (i, 0)),
        out_shape=jax.ShapeDtypeStruct((B, D_SUB + D_ENC), jnp.float32),
    )(pos2, phase2, gath, hist_flat, w1f, b1r, w2f, b2r)
    return out

# --- scband reference (transcript-rebuilt; emitter-appended) ---
"""Pipeline reference for scband-embedding-store-24361054503208 (READ-ONLY COPY).

The authoritative reference and input builder live on the scoring server;
editing this copy changes nothing except your own understanding.
"""

import jax, jax.numpy as jnp
import numpy as np

B = 4096
V = 100000
D_SUB = 8
D_ENC = 8
C_IN = 16
L = 200
K = 6
H = 128
MAX_NORM = 5.0


def setup_inputs(seed: int = 0) -> dict:
    key = jax.random.key(seed)
    ks = jax.random.split(key, 8)
    indices = jax.random.randint(ks[0], (B,), 0, V).astype(jnp.int64)
    history = jax.random.normal(ks[1], (B, C_IN, L), dtype=jnp.float32)
    history_lengths = jax.random.randint(ks[2], (B,), 1, L + 1).astype(jnp.int64)
    # learned parameters
    table = jax.random.normal(ks[3], (V, D_SUB), dtype=jnp.float32)
    w1 = jax.random.normal(ks[4], (H, C_IN, K), dtype=jnp.float32) * 0.05
    b1 = jnp.zeros((H,), dtype=jnp.float32)
    w2 = jax.random.normal(ks[5], (D_ENC, H, K), dtype=jnp.float32) * 0.05
    b2 = jnp.zeros((D_ENC,), dtype=jnp.float32)
    return {"indices": indices, "history": history, "history_lengths": history_lengths,
            "table": table, "w1": w1, "b1": b1, "w2": w2, "b2": b2}


def _causal_conv(x, w, b):
    # x: [B, C_in, L], w: [C_out, C_in, K] -> [B, C_out, L] causal padding
    y = jax.lax.conv_general_dilated(
        x, w, window_strides=(1,), padding=[(K - 1, 0)],
        dimension_numbers=("NCH", "OIH", "NCH"))
    return y + b[None, :, None]


def reference(indices, history, history_lengths, table, w1, b1, w2, b2):
    # subject embedding lookup (nn.Embedding with max_norm=5.0 -> renorm rows on lookup)
    sub = jnp.take(table, indices, axis=0)  # [B, D_SUB]
    norms = jnp.linalg.norm(sub, axis=-1, keepdims=True)
    sub = sub * jnp.minimum(1.0, MAX_NORM / jnp.maximum(norms, 1e-7))
    # causal CNN encoder over workout history
    h = jax.nn.relu(_causal_conv(history, w1, b1))  # [B, H, L]
    h = _causal_conv(h, w2, b2)                     # [B, D_ENC, L]
    pos = jnp.clip(history_lengths - 1, 0, L - 1).astype(jnp.int32)
    enc = h[jnp.arange(B), :, pos]                  # [B, D_ENC] at last valid step
    # concatenate per-workout embeddings: dim_embedding = D_SUB + D_ENC
    return jnp.concatenate([sub, enc], axis=-1)     # [B, 16]

if __name__ == "__main__":
    import jax
    _d = setup_inputs()
    print(jax.jit(kernel)(*tuple(_d.values())))

</pallas_src>

<mosaic_0001>
#map = affine_map<(d0, d1) -> (0, 0)>
#map1 = affine_map<(d0, d1) -> (0)>
module attributes {stable_mosaic.version = 14 : i64} {
  func.func @k(%arg0: i32, %arg1: i32, %arg2: memref<6250x128xf32, #tpu.memory_space<hbm>>, %arg3: memref<4096xi32, #tpu.memory_space<hbm>>, %arg4: memref<4096x128xf32, #tpu.memory_space<hbm>>, %arg5: memref<128xi32, #tpu.memory_space<vmem>>, %arg6: memref<128x128xf32, #tpu.memory_space<vmem>>, %arg7: memref<!tpu.dma_semaphore, #tpu.memory_space<semaphore_mem>>) attributes {dimension_semantics = [#tpu.dimension_semantics<core_parallel>, #tpu.dimension_semantics<subcore_parallel>], iteration_bounds = array<i64: 2, 16>, scalar_prefetch = 0 : i64, scratch_operands = 3 : i64, tpu.core_type = #tpu.core_type<sc_vector_subcore>, window_params = [{transform_indices = #map}, {transform_indices = #map1}, {transform_indices = #map}]} {
    %mul3A = arith.constant 2 : i32
    %mul3A_0 = arith.muli %arg1, %mul3A : i32
    %add3A = arith.addi %mul3A_0, %arg0 : i32
    %mul3A_1 = arith.constant 128 : i32
    %mul3A_2 = arith.muli %add3A, %mul3A_1 : i32
    "tpu.region"() ({
      %run_scoped3A = tpu.sem_alloc : memref<!tpu.dma_semaphore, #tpu.memory_space<semaphore_mem>>
      %dma_start3A_7 = tpu.memref_slice %arg3[%mul3A_2] : memref<4096xi32, #tpu.memory_space<hbm>> -> memref<128xi32, #tpu.memory_space<hbm>>
      %dma_start3A_8 = tpu.memref_slice %arg3[%mul3A_2] : memref<4096xi32, #tpu.memory_space<hbm>> -> memref<128xi32, #tpu.memory_space<hbm>>
      tpu.enqueue_dma source(%dma_start3A_8 : memref<128xi32, #tpu.memory_space<hbm>>) target(%arg5 : memref<128xi32, #tpu.memory_space<vmem>>) target_semaphore(%run_scoped3A : memref<!tpu.dma_semaphore, #tpu.memory_space<semaphore_mem>>)
      %dma_wait3A_9 = tpu.memref_slice %arg3[%mul3A_2] : memref<4096xi32, #tpu.memory_space<hbm>> -> memref<128xi32, #tpu.memory_space<hbm>>
      %dma_wait3A_10 = tpu.memref_slice %arg3[%mul3A_2] : memref<4096xi32, #tpu.memory_space<hbm>> -> memref<128xi32, #tpu.memory_space<hbm>>
      tpu.wait_dma2 semaphore(%run_scoped3A : memref<!tpu.dma_semaphore, #tpu.memory_space<semaphore_mem>>) src(%dma_wait3A_10 : memref<128xi32, #tpu.memory_space<hbm>>) dst(%arg5 : memref<128xi32, #tpu.memory_space<vmem>>)
      tpu.yield
    }) : () -> ()
    %dma_start3A = arith.constant 0 : i32
    %dma_start3A_3 = arith.constant 0 : i32
    %dma_start3A_4 = tpu.memref_slice %arg2[%dma_start3A, %dma_start3A_3] : memref<6250x128xf32, #tpu.memory_space<hbm>> -> memref<6250x128xf32, #tpu.memory_space<hbm>>
    tpu.enqueue_indirect_dma source(%dma_start3A_4 : memref<6250x128xf32, #tpu.memory_space<hbm>>) target(%arg6 : memref<128x128xf32, #tpu.memory_space<vmem>>) offsets(%arg5 : memref<128xi32, #tpu.memory_space<vmem>>) semaphore(%arg7 : memref<!tpu.dma_semaphore, #tpu.memory_space<semaphore_mem>>)
    %dma_wait3A = arith.constant 0 : i32
    %dma_wait3A_5 = arith.constant 0 : i32
    %dma_wait3A_6 = tpu.memref_slice %arg2[%dma_wait3A, %dma_wait3A_5] : memref<6250x128xf32, #tpu.memory_space<hbm>> -> memref<6250x128xf32, #tpu.memory_space<hbm>>
    tpu.wait_indirect_dma semaphore(%arg7 : memref<!tpu.dma_semaphore, #tpu.memory_space<semaphore_mem>>) src(%dma_wait3A_6 : memref<6250x128xf32, #tpu.memory_space<hbm>>) dst(%arg6 : memref<128x128xf32, #tpu.memory_space<vmem>>)
    "tpu.region"() ({
      %run_scoped3A = tpu.sem_alloc : memref<!tpu.dma_semaphore, #tpu.memory_space<semaphore_mem>>
      %dma_start3A_7 = arith.constant 0 : i32
      %dma_start3A_8 = tpu.memref_slice %arg4[%mul3A_2, %dma_start3A_7] : memref<4096x128xf32, #tpu.memory_space<hbm>> -> memref<128x128xf32, #tpu.memory_space<hbm>>
      %dma_start3A_9 = arith.constant 0 : i32
      %dma_start3A_10 = tpu.memref_slice %arg4[%mul3A_2, %dma_start3A_9] : memref<4096x128xf32, #tpu.memory_space<hbm>> -> memref<128x128xf32, #tpu.memory_space<hbm>>
      tpu.enqueue_dma source(%arg6 : memref<128x128xf32, #tpu.memory_space<vmem>>) target(%dma_start3A_10 : memref<128x128xf32, #tpu.memory_space<hbm>>) target_semaphore(%run_scoped3A : memref<!tpu.dma_semaphore, #tpu.memory_space<semaphore_mem>>)
      %dma_wait3A_11 = arith.constant 0 : i32
      %dma_wait3A_12 = tpu.memref_slice %arg4[%mul3A_2, %dma_wait3A_11] : memref<4096x128xf32, #tpu.memory_space<hbm>> -> memref<128x128xf32, #tpu.memory_space<hbm>>
      %dma_wait3A_13 = arith.constant 0 : i32
      %dma_wait3A_14 = tpu.memref_slice %arg4[%mul3A_2, %dma_wait3A_13] : memref<4096x128xf32, #tpu.memory_space<hbm>> -> memref<128x128xf32, #tpu.memory_space<hbm>>
      tpu.wait_dma2 semaphore(%run_scoped3A : memref<!tpu.dma_semaphore, #tpu.memory_space<semaphore_mem>>) src(%arg6 : memref<128x128xf32, #tpu.memory_space<vmem>>) dst(%dma_wait3A_14 : memref<128x128xf32, #tpu.memory_space<hbm>>)
      tpu.yield
    }) : () -> ()
    return
  }
}

module attributes {stable_mosaic.version = 14 : i64} {
  func.func @_encoder_body(%arg0: i32, %arg1: memref<128x1xi32, #tpu.memory_space<vmem>>, %arg2: memref<128x1xi32, #tpu.memory_space<vmem>>, %arg3: memref<128x128xf32, #tpu.memory_space<vmem>>, %arg4: memref<128x3584xbf16, #tpu.memory_space<vmem>>, %arg5: memref<96x128xf32, #tpu.memory_space<vmem>>, %arg6: memref<1x128xf32, #tpu.memory_space<vmem>>, %arg7: memref<768x8xf32, #tpu.memory_space<vmem>>, %arg8: memref<1x8xf32, #tpu.memory_space<vmem>>, %arg9: memref<128x16xf32, #tpu.memory_space<vmem>>) attributes {dimension_semantics = [#tpu.dimension_semantics<arbitrary>], iteration_bounds = array<i64: 32>, scalar_prefetch = 0 : i64, scratch_operands = 0 : i64, tpu.core_type = #tpu.core_type<tc>, window_params = [{transform_indices = @transform_0, window_bounds = array<i64: 128, 1>}, {transform_indices = @transform_1, window_bounds = array<i64: 128, 1>}, {transform_indices = @transform_2, window_bounds = array<i64: 128, 128>}, {transform_indices = @transform_3, window_bounds = array<i64: 128, 3584>}, {pipeline_mode = #tpu.pipeline_mode<synchronous>, transform_indices = @transform_4, window_bounds = array<i64: 96, 128>}, {pipeline_mode = #tpu.pipeline_mode<synchronous>, transform_indices = @transform_5, window_bounds = array<i64: 1, 128>}, {pipeline_mode = #tpu.pipeline_mode<synchronous>, transform_indices = @transform_6, window_bounds = array<i64: 768, 8>}, {pipeline_mode = #tpu.pipeline_mode<synchronous>, transform_indices = @transform_7, window_bounds = array<i64: 1, 8>}, {transform_indices = @transform_8, window_bounds = array<i64: 128, 16>}]} {
    %get3A = arith.constant 0 : index
    %get3A_0 = arith.constant 0 : index
    %get3A_1 = vector.load %arg1[%get3A, %get3A_0] : memref<128x1xi32, #tpu.memory_space<vmem>>, vector<128x1xi32>
    %mul3A = arith.constant 16 : i32
    %mul3A_2 = vector.broadcast %mul3A : i32 to vector<128x1xi32>
    %mul3A_3 = arith.muli %mul3A_2, %get3A_1 : vector<128x1xi32>
    %jit3A = arith.constant 256 : i32
    %div3A = vector.broadcast %jit3A : i32 to vector<128x1xi32>
    %div3A_4 = arith.divsi %mul3A_3, %div3A : vector<128x1xi32>
    %sign3A = arith.constant 0 : i32
    %sign3A_5 = vector.broadcast %sign3A : i32 to vector<128x1xi32>
    %sign3A_6 = arith.cmpi sgt, %mul3A_3, %sign3A_5 : vector<128x1xi32>
    %sign3A_7 = arith.extui %sign3A_6 : vector<128x1xi1> to vector<128x1xi32>
    %sign3A_8 = arith.constant 0 : i32
    %sign3A_9 = vector.broadcast %sign3A_8 : i32 to vector<128x1xi32>
    %sign3A_10 = arith.cmpi slt, %mul3A_3, %sign3A_9 : vector<128x1xi32>
    %sign3A_11 = arith.extui %sign3A_10 : vector<128x1xi1> to vector<128x1xi32>
    %sign3A_12 = arith.subi %sign3A_7, %sign3A_11 : vector<128x1xi32>
    %sign3A_13 = arith.constant 0 : i32
    %sign3A_14 = arith.cmpi sgt, %jit3A, %sign3A_13 : i32
    %sign3A_15 = arith.extui %sign3A_14 : i1 to i32
    %sign3A_16 = arith.constant 0 : i32
    %sign3A_17 = arith.cmpi slt, %jit3A, %sign3A_16 : i32
    %sign3A_18 = arith.extui %sign3A_17 : i1 to i32
    %sign3A_19 = arith.subi %sign3A_15, %sign3A_18 : i32
    %ne3A = vector.broadcast %sign3A_19 : i32 to vector<128x1xi32>
    %ne3A_20 = arith.cmpi ne, %sign3A_12, %ne3A : vector<128x1xi32>
    %rem3A = vector.broadcast %jit3A : i32 to vector<128x1xi32>
    %rem3A_21 = arith.remsi %mul3A_3, %rem3A : vector<128x1xi32>
    %ne3A_22 = arith.constant 0 : i32
    %ne3A_23 = vector.broadcast %ne3A_22 : i32 to vector<128x1xi32>
    %ne3A_24 = arith.cmpi ne, %rem3A_21, %ne3A_23 : vector<128x1xi32>
    %and3A = arith.andi %ne3A_20, %ne3A_24 : vector<128x1xi1>
    %sub3A = arith.constant 1 : i32
    %sub3A_25 = vector.broadcast %sub3A : i32 to vector<128x1xi32>
    %sub3A_26 = arith.subi %div3A_4, %sub3A_25 : vector<128x1xi32>
    %select_n3A = arith.select %and3A, %sub3A_26, %div3A_4 : vector<128x1xi1>, vector<128x1xi32>
    %mul3A_27 = arith.constant 256 : i32
    %mul3A_28 = vector.broadcast %mul3A_27 : i32 to vector<128x1xi32>
    %mul3A_29 = arith.muli %mul3A_28, %select_n3A : vector<128x1xi32>
    %sub3A_30 = arith.subi %mul3A_3, %mul3A_29 : vector<128x1xi32>
    %get3A_31 = arith.constant 0 : index
    %get3A_32 = arith.constant 0 : index
    %get3A_33 = vector.load %arg4[%get3A_31, %get3A_32] : memref<128x3584xbf16, #tpu.memory_space<vmem>>, vector<128x416xbf16>
    %eq3A = arith.constant 1 : i32
    %eq3A_34 = vector.broadcast %eq3A : i32 to vector<128x1xi32>
    %eq3A_35 = arith.cmpi eq, %select_n3A, %eq3A_34 : vector<128x1xi32>
    %get3A_36 = arith.constant 0 : index
    %get3A_37 = arith.constant 256 : index
    %get3A_38 = vector.load %arg4[%get3A_36, %get3A_37] : memref<128x3584xbf16, #tpu.memory_space<vmem>>, vector<128x416xbf16>
    %broadcast_in_dim3A = vector.shape_cast %eq3A_35 : vector<128x1xi1> to vector<128x1xi1>
    %broadcast_in_dim3A_39 = vector.broadcast %broadcast_in_dim3A : vector<128x1xi1> to vector<128x416xi1>
    %select_n3A_40 = arith.select %broadcast_in_dim3A_39, %get3A_38, %get3A_33 : vector<128x416xi1>, vector<128x416xbf16>
    %eq3A_41 = arith.constant 2 : i32
    %eq3A_42 = vector.broadcast %eq3A_41 : i32 to vector<128x1xi32>
    %eq3A_43 = arith.cmpi eq, %select_n3A, %eq3A_42 : vector<128x1xi32>
    %get3A_44 = arith.constant 0 : index
    %get3A_45 = arith.constant 512 : index
    %get3A_46 = vector.load %arg4[%get3A_44, %get3A_45] : memref<128x3584xbf16, #tpu.memory_space<vmem>>, vector<128x416xbf16>
    %broadcast_in_dim3A_47 = vector.shape_cast %eq3A_43 : vector<128x1xi1> to vector<128x1xi1>
    %broadcast_in_dim3A_48 = vector.broadcast %broadcast_in_dim3A_47 : vector<128x1xi1> to vector<128x416xi1>
    %select_n3A_49 = arith.select %broadcast_in_dim3A_48, %get3A_46, %select_n3A_40 : vector<128x416xi1>, vector<128x416xbf16>
    %eq3A_50 = arith.constant 3 : i32
    %eq3A_51 = vector.broadcast %eq3A_50 : i32 to vector<128x1xi32>
    %eq3A_52 = arith.cmpi eq, %select_n3A, %eq3A_51 : vector<128x1xi32>
    %get3A_53 = arith.constant 0 : index
    %get3A_54 = arith.constant 768 : index
    %get3A_55 = vector.load %arg4[%get3A_53, %get3A_54] : memref<128x3584xbf16, #tpu.memory_space<vmem>>, vector<128x416xbf16>
    %broadcast_in_dim3A_56 = vector.shape_cast %eq3A_52 : vector<128x1xi1> to vector<128x1xi1>
    %broadcast_in_dim3A_57 = vector.broadcast %broadcast_in_dim3A_56 : vector<128x1xi1> to vector<128x416xi1>
    %select_n3A_58 = arith.select %broadcast_in_dim3A_57, %get3A_55, %select_n3A_49 : vector<128x416xi1>, vector<128x416xbf16>
    %eq3A_59 = arith.constant 4 : i32
    %eq3A_60 = vector.broadcast %eq3A_59 : i32 to vector<128x1xi32>
    %eq3A_61 = arith.cmpi eq, %select_n3A, %eq3A_60 : vector<128x1xi32>
    %get3A_62 = arith.constant 0 : index
    %get3A_63 = arith.constant 1024 : index
    %get3A_64 = vector.load %arg4[%get3A_62, %get3A_63] : memref<128x3584xbf16, #tpu.memory_space<vmem>>, vector<128x416xbf16>
    %broadcast_in_dim3A_65 = vector.shape_cast %eq3A_61 : vector<128x1xi1> to vector<128x1xi1>
    %broadcast_in_dim3A_66 = vector.broadcast %broadcast_in_dim3A_65 : vector<128x1xi1> to vector<128x416xi1>
    %select_n3A_67 = arith.select %broadcast_in_dim3A_66, %get3A_64, %select_n3A_58 : vector<128x416xi1>, vector<128x416xbf16>
    %eq3A_68 = arith.constant 5 : i32
    %eq3A_69 = vector.broadcast %eq3A_68 : i32 to vector<128x1xi32>
    %eq3A_70 = arith.cmpi eq, %select_n3A, %eq3A_69 : vector<128x1xi32>
    %get3A_71 = arith.constant 0 : index
    %get3A_72 = arith.constant 1280 : index
    %get3A_73 = vector.load %arg4[%get3A_71, %get3A_72] : memref<128x3584xbf16, #tpu.memory_space<vmem>>, vector<128x416xbf16>
    %broadcast_in_dim3A_74 = vector.shape_cast %eq3A_70 : vector<128x1xi1> to vector<128x1xi1>
    %broadcast_in_dim3A_75 = vector.broadcast %broadcast_in_dim3A_74 : vector<128x1xi1> to vector<128x416xi1>
    %select_n3A_76 = arith.select %broadcast_in_dim3A_75, %get3A_73, %select_n3A_67 : vector<128x416xi1>, vector<128x416xbf16>
    %eq3A_77 = arith.constant 6 : i32
    %eq3A_78 = vector.broadcast %eq3A_77 : i32 to vector<128x1xi32>
    %eq3A_79 = arith.cmpi eq, %select_n3A, %eq3A_78 : vector<128x1xi32>
    %get3A_80 = arith.constant 0 : index
    %get3A_81 = arith.constant 1536 : index
    %get3A_82 = vector.load %arg4[%get3A_80, %get3A_81] : memref<128x3584xbf16, #tpu.memory_space<vmem>>, vector<128x416xbf16>
    %broadcast_in_dim3A_83 = vector.shape_cast %eq3A_79 : vector<128x1xi1> to vector<128x1xi1>
    %broadcast_in_dim3A_84 = vector.broadcast %broadcast_in_dim3A_83 : vector<128x1xi1> to vector<128x416xi1>
    %select_n3A_85 = arith.select %broadcast_in_dim3A_84, %get3A_82, %select_n3A_76 : vector<128x416xi1>, vector<128x416xbf16>
    %eq3A_86 = arith.constant 7 : i32
    %eq3A_87 = vector.broadcast %eq3A_86 : i32 to vector<128x1xi32>
    %eq3A_88 = arith.cmpi eq, %select_n3A, %eq3A_87 : vector<128x1xi32>
    %get3A_89 = arith.constant 0 : index
    %get3A_90 = arith.constant 1792 : index
    %get3A_91 = vector.load %arg4[%get3A_89, %get3A_90] : memref<128x3584xbf16, #tpu.memory_space<vmem>>, vector<128x416xbf16>
    %broadcast_in_dim3A_92 = vector.shape_cast %eq3A_88 : vector<128x1xi1> to vector<128x1xi1>
    %broadcast_in_dim3A_93 = vector.broadcast %broadcast_in_dim3A_92 : vector<128x1xi1> to vector<128x416xi1>
    %select_n3A_94 = arith.select %broadcast_in_dim3A_93, %get3A_91, %select_n3A_85 : vector<128x416xi1>, vector<128x416xbf16>
    %eq3A_95 = arith.constant 8 : i32
    %eq3A_96 = vector.broadcast %eq3A_95 : i32 to vector<128x1xi32>
    %eq3A_97 = arith.cmpi eq, %select_n3A, %eq3A_96 : vector<128x1xi32>
    %get3A_98 = arith.constant 0 : index
    %get3A_99 = arith.constant 2048 : index
    %get3A_100 = vector.load %arg4[%get3A_98, %get3A_99] : memref<128x3584xbf16, #tpu.memory_space<vmem>>, vector<128x416xbf16>
    %broadcast_in_dim3A_101 = vector.shape_cast %eq3A_97 : vector<128x1xi1> to vector<128x1xi1>
    %broadcast_in_dim3A_102 = vector.broadcast %broadcast_in_dim3A_101 : vector<128x1xi1> to vector<128x416xi1>
    %select_n3A_103 = arith.select %broadcast_in_dim3A_102, %get3A_100, %select_n3A_94 : vector<128x416xi1>, vector<128x416xbf16>
    %eq3A_104 = arith.constant 9 : i32
    %eq3A_105 = vector.broadcast %eq3A_104 : i32 to vector<128x1xi32>
    %eq3A_106 = arith.cmpi eq, %select_n3A, %eq3A_105 : vector<128x1xi32>
    %get3A_107 = arith.constant 0 : index
    %get3A_108 = arith.constant 2304 : index
    %get3A_109 = vector.load %arg4[%get3A_107, %get3A_108] : memref<128x3584xbf16, #tpu.memory_space<vmem>>, vector<128x416xbf16>
    %broadcast_in_dim3A_110 = vector.shape_cast %eq3A_106 : vector<128x1xi1> to vector<128x1xi1>
    %broadcast_in_dim3A_111 = vector.broadcast %broadcast_in_dim3A_110 : vector<128x1xi1> to vector<128x416xi1>
    %select_n3A_112 = arith.select %broadcast_in_dim3A_111, %get3A_109, %select_n3A_103 : vector<128x416xi1>, vector<128x416xbf16>
    %eq3A_113 = arith.constant 10 : i32
    %eq3A_114 = vector.broadcast %eq3A_113 : i32 to vector<128x1xi32>
    %eq3A_115 = arith.cmpi eq, %select_n3A, %eq3A_114 : vector<128x1xi32>
    %get3A_116 = arith.constant 0 : index
    %get3A_117 = arith.constant 2560 : index
    %get3A_118 = vector.load %arg4[%get3A_116, %get3A_117] : memref<128x3584xbf16, #tpu.memory_space<vmem>>, vector<128x416xbf16>
    %broadcast_in_dim3A_119 = vector.shape_cast %eq3A_115 : vector<128x1xi1> to vector<128x1xi1>
    %broadcast_in_dim3A_120 = vector.broadcast %broadcast_in_dim3A_119 : vector<128x1xi1> to vector<128x416xi1>
    %select_n3A_121 = arith.select %broadcast_in_dim3A_120, %get3A_118, %select_n3A_112 : vector<128x416xi1>, vector<128x416xbf16>
    %eq3A_122 = arith.constant 11 : i32
    %eq3A_123 = vector.broadcast %eq3A_122 : i32 to vector<128x1xi32>
    %eq3A_124 = arith.cmpi eq, %select_n3A, %eq3A_123 : vector<128x1xi32>
    %get3A_125 = arith.constant 0 : index
    %get3A_126 = arith.constant 2816 : index
    %get3A_127 = vector.load %arg4[%get3A_125, %get3A_126] : memref<128x3584xbf16, #tpu.memory_space<vmem>>, vector<128x416xbf16>
    %broadcast_in_dim3A_128 = vector.shape_cast %eq3A_124 : vector<128x1xi1> to vector<128x1xi1>
    %broadcast_in_dim3A_129 = vector.broadcast %broadcast_in_dim3A_128 : vector<128x1xi1> to vector<128x416xi1>
    %select_n3A_130 = arith.select %broadcast_in_dim3A_129, %get3A_127, %select_n3A_121 : vector<128x416xi1>, vector<128x416xbf16>
    %eq3A_131 = arith.constant 12 : i32
    %eq3A_132 = vector.broadcast %eq3A_131 : i32 to vector<128x1xi32>
    %eq3A_133 = arith.cmpi eq, %select_n3A, %eq3A_132 : vector<128x1xi32>
    %get3A_134 = arith.constant 0 : index
    %get3A_135 = arith.constant 3072 : index
    %get3A_136 = vector.load %arg4[%get3A_134, %get3A_135] : memref<128x3584xbf16, #tpu.memory_space<vmem>>, vector<128x416xbf16>
    %broadcast_in_dim3A_137 = vector.shape_cast %eq3A_133 : vector<128x1xi1> to vector<128x1xi1>
    %broadcast_in_dim3A_138 = vector.broadcast %broadcast_in_dim3A_137 : vector<128x1xi1> to vector<128x416xi1>
    %select_n3A_139 = arith.select %broadcast_in_dim3A_138, %get3A_136, %select_n3A_130 : vector<128x416xi1>, vector<128x416xbf16>
    %ge3A = arith.constant 128 : i32
    %ge3A_140 = vector.broadcast %ge3A : i32 to vector<128x1xi32>
    %ge3A_141 = arith.cmpi sge, %sub3A_30, %ge3A_140 : vector<128x1xi32>
    %convert_element_type3A = arith.extui %ge3A_141 : vector<128x1xi1> to vector<128x1xi32>
    %mul3A_142 = arith.constant 128 : i32
    %mul3A_143 = vector.broadcast %mul3A_142 : i32 to vector<128x1xi32>
    %mul3A_144 = arith.muli %mul3A_143, %convert_element_type3A : vector<128x1xi32>
    %sub3A_145 = arith.subi %sub3A_30, %mul3A_144 : vector<128x1xi32>
    %slice3A = vector.extract_strided_slice %select_n3A_139 {offsets = [0, 128], sizes = [128, 288], strides = [1, 1]} : vector<128x416xbf16> to vector<128x288xbf16>
    %slice3A_146 = vector.extract_strided_slice %select_n3A_139 {offsets = [0, 0], sizes = [128, 288], strides = [1, 1]} : vector<128x416xbf16> to vector<128x288xbf16>
    %broadcast_in_dim3A_147 = vector.shape_cast %ge3A_141 : vector<128x1xi1> to vector<128x1xi1>
    %broadcast_in_dim3A_148 = vector.broadcast %broadcast_in_dim3A_147 : vector<128x1xi1> to vector<128x288xi1>
    %select_n3A_149 = arith.select %broadcast_in_dim3A_148, %slice3A, %slice3A_146 : vector<128x288xi1>, vector<128x288xbf16>
    %ge3A_150 = arith.constant 64 : i32
    %ge3A_151 = vector.broadcast %ge3A_150 : i32 to vector<128x1xi32>
    %ge3A_152 = arith.cmpi sge, %sub3A_145, %ge3A_151 : vector<128x1xi32>
    %convert_element_type3A_153 = arith.extui %ge3A_152 : vector<128x1xi1> to vector<128x1xi32>
    %mul3A_154 = arith.constant 64 : i32
    %mul3A_155 = vector.broadcast %mul3A_154 : i32 to vector<128x1xi32>
    %mul3A_156 = arith.muli %mul3A_155, %convert_element_type3A_153 : vector<128x1xi32>
    %sub3A_157 = arith.subi %sub3A_145, %mul3A_156 : vector<128x1xi32>
    %slice3A_158 = vector.extract_strided_slice %select_n3A_149 {offsets = [0, 64], sizes = [128, 224], strides = [1, 1]} : vector<128x288xbf16> to vector<128x224xbf16>
    %slice3A_159 = vector.extract_strided_slice %select_n3A_149 {offsets = [0, 0], sizes = [128, 224], strides = [1, 1]} : vector<128x288xbf16> to vector<128x224xbf16>
    %broadcast_in_dim3A_160 = vector.shape_cast %ge3A_152 : vector<128x1xi1> to vector<128x1xi1>
    %broadcast_in_dim3A_161 = vector.broadcast %broadcast_in_dim3A_160 : vector<128x1xi1> to vector<128x224xi1>
    %select_n3A_162 = arith.select %broadcast_in_dim3A_161, %slice3A_158, %slice3A_159 : vector<128x224xi1>, vector<128x224xbf16>
    %ge3A_163 = arith.constant 32 : i32
    %ge3A_164 = vector.broadcast %ge3A_163 : i32 to vector<128x1xi32>
    %ge3A_165 = arith.cmpi sge, %sub3A_157, %ge3A_164 : vector<128x1xi32>
    %convert_element_type3A_166 = arith.extui %ge3A_165 : vector<128x1xi1> to vector<128x1xi32>
    %mul3A_167 = arith.constant 32 : i32
    %mul3A_168 = vector.broadcast %mul3A_167 : i32 to vector<128x1xi32>
    %mul3A_169 = arith.muli %mul3A_168, %convert_element_type3A_166 : vector<128x1xi32>
    %sub3A_170 = arith.subi %sub3A_157, %mul3A_169 : vector<128x1xi32>
    %slice3A_171 = vector.extract_strided_slice %select_n3A_162 {offsets = [0, 32], sizes = [128, 192], strides = [1, 1]} : vector<128x224xbf16> to vector<128x192xbf16>
    %slice3A_172 = vector.extract_strided_slice %select_n3A_162 {offsets = [0, 0], sizes = [128, 192], strides = [1, 1]} : vector<128x224xbf16> to vector<128x192xbf16>
    %broadcast_in_dim3A_173 = vector.shape_cast %ge3A_165 : vector<128x1xi1> to vector<128x1xi1>
    %broadcast_in_dim3A_174 = vector.broadcast %broadcast_in_dim3A_173 : vector<128x1xi1> to vector<128x192xi1>
    %select_n3A_175 = arith.select %broadcast_in_dim3A_174, %slice3A_171, %slice3A_172 : vector<128x192xi1>, vector<128x192xbf16>
    %ge3A_176 = arith.constant 16 : i32
    %ge3A_177 = vector.broadcast %ge3A_176 : i32 to vector<128x1xi32>
    %ge3A_178 = arith.cmpi sge, %sub3A_170, %ge3A_177 : vector<128x1xi32>
    %slice3A_179 = vector.extract_strided_slice %select_n3A_175 {offsets = [0, 16], sizes = [128, 176], strides = [1, 1]} : vector<128x192xbf16> to vector<128x176xbf16>
    %slice3A_180 = vector.extract_strided_slice %select_n3A_175 {offsets = [0, 0], sizes = [128, 176], strides = [1, 1]} : vector<128x192xbf16> to vector<128x176xbf16>
    %broadcast_in_dim3A_181 = vector.shape_cast %ge3A_178 : vector<128x1xi1> to vector<128x1xi1>
    %broadcast_in_dim3A_182 = vector.broadcast %broadcast_in_dim3A_181 : vector<128x1xi1> to vector<128x176xi1>
    %select_n3A_183 = arith.select %broadcast_in_dim3A_182, %slice3A_179, %slice3A_180 : vector<128x176xi1>, vector<128x176xbf16>
    %convert_element_type3A_184 = arith.extf %select_n3A_183 : vector<128x176xbf16> to vector<128x176xf32>
    %get3A_185 = arith.constant 0 : index
    %get3A_186 = arith.constant 0 : index
    %get3A_187 = vector.load %arg5[%get3A_185, %get3A_186] : memref<96x128xf32, #tpu.memory_space<vmem>>, vector<96x128xf32>
    %get3A_188 = arith.constant 0 : index
    %get3A_189 = arith.constant 0 : index
    %get3A_190 = vector.load %arg6[%get3A_188, %get3A_189] : memref<1x128xf32, #tpu.memory_space<vmem>>, vector<1x128xf32>
    %slice3A_191 = vector.extract_strided_slice %convert_element_type3A_184 {offsets = [0, 0], sizes = [128, 96], strides = [1, 1]} : vector<128x176xf32> to vector<128x96xf32>
    %dot_general3A = arith.constant dense<0.000000e+00> : vector<128x128xf32>
    %dot_general3A_192 = tpu.matmul %slice3A_191, %get3A_187, %dot_general3A {dimension_numbers = #tpu.dot_dimension_numbers<[1], [0], [0], [1], [0, 0, 1, 1], [], []>, transpose_lhs_hint = false} : vector<128x96xf32>, vector<96x128xf32>, vector<128x128xf32> -> vector<128x128xf32>
    %add3A = vector.broadcast %get3A_190 : vector<1x128xf32> to vector<128x128xf32>
    %add3A_193 = arith.addf %dot_general3A_192, %add3A : vector<128x128xf32>
    %max3A = arith.constant 0.000000e+00 : f32
    %max3A_194 = vector.broadcast %max3A : f32 to vector<128x128xf32>
    %max3A_195 = arith.maximumf %add3A_193, %max3A_194 : vector<128x128xf32>
    %ge3A_196 = arith.constant 5 : i32
    %ge3A_197 = vector.broadcast %ge3A_196 : i32 to vector<128x1xi32>
    %ge3A_198 = arith.cmpi sge, %get3A_1, %ge3A_197 : vector<128x1xi32>
    %convert_element_type3A_199 = arith.extui %ge3A_198 : vector<128x1xi1> to vector<128x1xi32>
    %convert_element_type3A_200 = arith.sitofp %convert_element_type3A_199 : vector<128x1xi32> to vector<128x1xf32>
    %mul3A_201 = vector.broadcast %convert_element_type3A_200 : vector<128x1xf32> to vector<128x128xf32>
    %mul3A_202 = arith.mulf %max3A_195, %mul3A_201 : vector<128x128xf32>
    %slice3A_203 = vector.extract_strided_slice %convert_element_type3A_184 {offsets = [0, 16], sizes = [128, 96], strides = [1, 1]} : vector<128x176xf32> to vector<128x96xf32>
    %dot_general3A_204 = arith.constant dense<0.000000e+00> : vector<128x128xf32>
    %dot_general3A_205 = tpu.matmul %slice3A_203, %get3A_187, %dot_general3A_204 {dimension_numbers = #tpu.dot_dimension_numbers<[1], [0], [0], [1], [0, 0, 1, 1], [], []>, transpose_lhs_hint = false} : vector<128x96xf32>, vector<96x128xf32>, vector<128x128xf32> -> vector<128x128xf32>
    %add3A_206 = vector.broadcast %get3A_190 : vector<1x128xf32> to vector<128x128xf32>
    %add3A_207 = arith.addf %dot_general3A_205, %add3A_206 : vector<128x128xf32>
    %max3A_208 = arith.constant 0.000000e+00 : f32
    %max3A_209 = vector.broadcast %max3A_208 : f32 to vector<128x128xf32>
    %max3A_210 = arith.maximumf %add3A_207, %max3A_209 : vector<128x128xf32>
    %ge3A_211 = arith.constant 4 : i32
    %ge3A_212 = vector.broadcast %ge3A_211 : i32 to vector<128x1xi32>
    %ge3A_213 = arith.cmpi sge, %get3A_1, %ge3A_212 : vector<128x1xi32>
    %convert_element_type3A_214 = arith.extui %ge3A_213 : vector<128x1xi1> to vector<128x1xi32>
    %convert_element_type3A_215 = arith.sitofp %convert_element_type3A_214 : vector<128x1xi32> to vector<128x1xf32>
    %mul3A_216 = vector.broadcast %convert_element_type3A_215 : vector<128x1xf32> to vector<128x128xf32>
    %mul3A_217 = arith.mulf %max3A_210, %mul3A_216 : vector<128x128xf32>
    %slice3A_218 = vector.extract_strided_slice %convert_element_type3A_184 {offsets = [0, 32], sizes = [128, 96], strides = [1, 1]} : vector<128x176xf32> to vector<128x96xf32>
    %dot_general3A_219 = arith.constant dense<0.000000e+00> : vector<128x128xf32>
    %dot_general3A_220 = tpu.matmul %slice3A_218, %get3A_187, %dot_general3A_219 {dimension_numbers = #tpu.dot_dimension_numbers<[1], [0], [0], [1], [0, 0, 1, 1], [], []>, transpose_lhs_hint = false} : vector<128x96xf32>, vector<96x128xf32>, vector<128x128xf32> -> vector<128x128xf32>
    %add3A_221 = vector.broadcast %get3A_190 : vector<1x128xf32> to vector<128x128xf32>
    %add3A_222 = arith.addf %dot_general3A_220, %add3A_221 : vector<128x128xf32>
    %max3A_223 = arith.constant 0.000000e+00 : f32
    %max3A_224 = vector.broadcast %max3A_223 : f32 to vector<128x128xf32>
    %max3A_225 = arith.maximumf %add3A_222, %max3A_224 : vector<128x128xf32>
    %ge3A_226 = arith.constant 3 : i32
    %ge3A_227 = vector.broadcast %ge3A_226 : i32 to vector<128x1xi32>
    %ge3A_228 = arith.cmpi sge, %get3A_1, %ge3A_227 : vector<128x1xi32>
    %convert_element_type3A_229 = arith.extui %ge3A_228 : vector<128x1xi1> to vector<128x1xi32>
    %convert_element_type3A_230 = arith.sitofp %convert_element_type3A_229 : vector<128x1xi32> to vector<128x1xf32>
    %mul3A_231 = vector.broadcast %convert_element_type3A_230 : vector<128x1xf32> to vector<128x128xf32>
    %mul3A_232 = arith.mulf %max3A_225, %mul3A_231 : vector<128x128xf32>
    %slice3A_233 = vector.extract_strided_slice %convert_element_type3A_184 {offsets = [0, 48], sizes = [128, 96], strides = [1, 1]} : vector<128x176xf32> to vector<128x96xf32>
    %dot_general3A_234 = arith.constant dense<0.000000e+00> : vector<128x128xf32>
    %dot_general3A_235 = tpu.matmul %slice3A_233, %get3A_187, %dot_general3A_234 {dimension_numbers = #tpu.dot_dimension_numbers<[1], [0], [0], [1], [0, 0, 1, 1], [], []>, transpose_lhs_hint = false} : vector<128x96xf32>, vector<96x128xf32>, vector<128x128xf32> -> vector<128x128xf32>
    %add3A_236 = vector.broadcast %get3A_190 : vector<1x128xf32> to vector<128x128xf32>
    %add3A_237 = arith.addf %dot_general3A_235, %add3A_236 : vector<128x128xf32>
    %max3A_238 = arith.constant 0.000000e+00 : f32
    %max3A_239 = vector.broadcast %max3A_238 : f32 to vector<128x128xf32>
    %max3A_240 = arith.maximumf %add3A_237, %max3A_239 : vector<128x128xf32>
    %ge3A_241 = arith.constant 2 : i32
    %ge3A_242 = vector.broadcast %ge3A_241 : i32 to vector<128x1xi32>
    %ge3A_243 = arith.cmpi sge, %get3A_1, %ge3A_242 : vector<128x1xi32>
    %convert_element_type3A_244 = arith.extui %ge3A_243 : vector<128x1xi1> to vector<128x1xi32>
    %convert_element_type3A_245 = arith.sitofp %convert_element_type3A_244 : vector<128x1xi32> to vector<128x1xf32>
    %mul3A_246 = vector.broadcast %convert_element_type3A_245 : vector<128x1xf32> to vector<128x128xf32>
    %mul3A_247 = arith.mulf %max3A_240, %mul3A_246 : vector<128x128xf32>
    %slice3A_248 = vector.extract_strided_slice %convert_element_type3A_184 {offsets = [0, 64], sizes = [128, 96], strides = [1, 1]} : vector<128x176xf32> to vector<128x96xf32>
    %dot_general3A_249 = arith.constant dense<0.000000e+00> : vector<128x128xf32>
    %dot_general3A_250 = tpu.matmul %slice3A_248, %get3A_187, %dot_general3A_249 {dimension_numbers = #tpu.dot_dimension_numbers<[1], [0], [0], [1], [0, 0, 1, 1], [], []>, transpose_lhs_hint = false} : vector<128x96xf32>, vector<96x128xf32>, vector<128x128xf32> -> vector<128x128xf32>
    %add3A_251 = vector.broadcast %get3A_190 : vector<1x128xf32> to vector<128x128xf32>
    %add3A_252 = arith.addf %dot_general3A_250, %add3A_251 : vector<128x128xf32>
    %max3A_253 = arith.constant 0.000000e+00 : f32
    %max3A_254 = vector.broadcast %max3A_253 : f32 to vector<128x128xf32>
    %max3A_255 = arith.maximumf %add3A_252, %max3A_254 : vector<128x128xf32>
    %ge3A_256 = arith.constant 1 : i32
    %ge3A_257 = vector.broadcast %ge3A_256 : i32 to vector<128x1xi32>
    %ge3A_258 = arith.cmpi sge, %get3A_1, %ge3A_257 : vector<128x1xi32>
    %convert_element_type3A_259 = arith.extui %ge3A_258 : vector<128x1xi1> to vector<128x1xi32>
    %convert_element_type3A_260 = arith.sitofp %convert_element_type3A_259 : vector<128x1xi32> to vector<128x1xf32>
    %mul3A_261 = vector.broadcast %convert_element_type3A_260 : vector<128x1xf32> to vector<128x128xf32>
    %mul3A_262 = arith.mulf %max3A_255, %mul3A_261 : vector<128x128xf32>
    %slice3A_263 = vector.extract_strided_slice %convert_element_type3A_184 {offsets = [0, 80], sizes = [128, 96], strides = [1, 1]} : vector<128x176xf32> to vector<128x96xf32>
    %dot_general3A_264 = arith.constant dense<0.000000e+00> : vector<128x128xf32>
    %dot_general3A_265 = tpu.matmul %slice3A_263, %get3A_187, %dot_general3A_264 {dimension_numbers = #tpu.dot_dimension_numbers<[1], [0], [0], [1], [0, 0, 1, 1], [], []>, transpose_lhs_hint = false} : vector<128x96xf32>, vector<96x128xf32>, vector<128x128xf32> -> vector<128x128xf32>
    %add3A_266 = vector.broadcast %get3A_190 : vector<1x128xf32> to vector<128x128xf32>
    %add3A_267 = arith.addf %dot_general3A_265, %add3A_266 : vector<128x128xf32>
    %max3A_268 = arith.constant 0.000000e+00 : f32
    %max3A_269 = vector.broadcast %max3A_268 : f32 to vector<128x128xf32>
    %max3A_270 = arith.maximumf %add3A_267, %max3A_269 : vector<128x128xf32>
    %ge3A_271 = arith.constant 0 : i32
    %ge3A_272 = vector.broadcast %ge3A_271 : i32 to vector<128x1xi32>
    %ge3A_273 = arith.cmpi sge, %get3A_1, %ge3A_272 : vector<128x1xi32>
    %convert_element_type3A_274 = arith.extui %ge3A_273 : vector<128x1xi1> to vector<128x1xi32>
    %convert_element_type3A_275 = arith.sitofp %convert_element_type3A_274 : vector<128x1xi32> to vector<128x1xf32>
    %mul3A_276 = vector.broadcast %convert_element_type3A_275 : vector<128x1xf32> to vector<128x128xf32>
    %mul3A_277 = arith.mulf %max3A_270, %mul3A_276 : vector<128x128xf32>
    %concatenate3A = tpu.concatenate %mul3A_202, %mul3A_217, %mul3A_232, %mul3A_247, %mul3A_262, %mul3A_277 in 1 : vector<128x128xf32>, vector<128x128xf32>, vector<128x128xf32>, vector<128x128xf32>, vector<128x128xf32>, vector<128x128xf32> -> vector<128x768xf32>
    %get3A_278 = arith.constant 0 : index
    %get3A_279 = arith.constant 0 : index
    %get3A_280 = vector.load %arg7[%get3A_278, %get3A_279] : memref<768x8xf32, #tpu.memory_space<vmem>>, vector<768x8xf32>
    %dot_general3A_281 = arith.constant dense<0.000000e+00> : vector<128x8xf32>
    %dot_general3A_282 = tpu.matmul %concatenate3A, %get3A_280, %dot_general3A_281 {dimension_numbers = #tpu.dot_dimension_numbers<[1], [0], [0], [1], [0, 0, 1, 1], [], []>, transpose_lhs_hint = false} : vector<128x768xf32>, vector<768x8xf32>, vector<128x8xf32> -> vector<128x8xf32>
    %get3A_283 = arith.constant 0 : index
    %get3A_284 = arith.constant 0 : index
    %get3A_285 = vector.load %arg8[%get3A_283, %get3A_284] : memref<1x8xf32, #tpu.memory_space<vmem>>, vector<1x8xf32>
    %add3A_286 = vector.broadcast %get3A_285 : vector<1x8xf32> to vector<128x8xf32>
    %add3A_287 = arith.addf %dot_general3A_282, %add3A_286 : vector<128x8xf32>
    %get3A_288 = arith.constant 0 : index
    %get3A_289 = arith.constant 0 : index
    %get3A_290 = vector.load %arg3[%get3A_288, %get3A_289] : memref<128x128xf32, #tpu.memory_space<vmem>>, vector<128x128xf32>
    %get3A_291 = arith.constant 0 : index
    %get3A_292 = arith.constant 0 : index
    %get3A_293 = vector.load %arg2[%get3A_291, %get3A_292] : memref<128x1xi32, #tpu.memory_space<vmem>>, vector<128x1xi32>
    %broadcast_in_dim3A_294 = arith.constant 0.000000e+00 : f32
    %broadcast_in_dim3A_295 = vector.broadcast %broadcast_in_dim3A_294 : f32 to vector<128x8xf32>
    %eq3A_296 = arith.constant 0 : i32
    %eq3A_297 = vector.broadcast %eq3A_296 : i32 to vector<128x1xi32>
    %eq3A_298 = arith.cmpi eq, %get3A_293, %eq3A_297 : vector<128x1xi32>
    %convert_element_type3A_299 = arith.extui %eq3A_298 : vector<128x1xi1> to vector<128x1xi32>
    %convert_element_type3A_300 = arith.sitofp %convert_element_type3A_299 : vector<128x1xi32> to vector<128x1xf32>
    %slice3A_301 = vector.extract_strided_slice %get3A_290 {offsets = [0, 0], sizes = [128, 8], strides = [1, 1]} : vector<128x128xf32> to vector<128x8xf32>
    %mul3A_302 = vector.broadcast %convert_element_type3A_300 : vector<128x1xf32> to vector<128x8xf32>
    %mul3A_303 = arith.mulf %slice3A_301, %mul3A_302 : vector<128x8xf32>
    %add3A_304 = arith.addf %broadcast_in_dim3A_295, %mul3A_303 : vector<128x8xf32>
    %eq3A_305 = arith.constant 1 : i32
    %eq3A_306 = vector.broadcast %eq3A_305 : i32 to vector<128x1xi32>
    %eq3A_307 = arith.cmpi eq, %get3A_293, %eq3A_306 : vector<128x1xi32>
    %convert_element_type3A_308 = arith.extui %eq3A_307 : vector<128x1xi1> to vector<128x1xi32>
    %convert_element_type3A_309 = arith.sitofp %convert_element_type3A_308 : vector<128x1xi32> to vector<128x1xf32>
    %slice3A_310 = vector.extract_strided_slice %get3A_290 {offsets = [0, 8], sizes = [128, 8], strides = [1, 1]} : vector<128x128xf32> to vector<128x8xf32>
    %mul3A_311 = vector.broadcast %convert_element_type3A_309 : vector<128x1xf32> to vector<128x8xf32>
    %mul3A_312 = arith.mulf %slice3A_310, %mul3A_311 : vector<128x8xf32>
    %add3A_313 = arith.addf %add3A_304, %mul3A_312 : vector<128x8xf32>
    %eq3A_314 = arith.constant 2 : i32
    %eq3A_315 = vector.broadcast %eq3A_314 : i32 to vector<128x1xi32>
    %eq3A_316 = arith.cmpi eq, %get3A_293, %eq3A_315 : vector<128x1xi32>
    %convert_element_type3A_317 = arith.extui %eq3A_316 : vector<128x1xi1> to vector<128x1xi32>
    %convert_element_type3A_318 = arith.sitofp %convert_element_type3A_317 : vector<128x1xi32> to vector<128x1xf32>
    %slice3A_319 = vector.extract_strided_slice %get3A_290 {offsets = [0, 16], sizes = [128, 8], strides = [1, 1]} : vector<128x128xf32> to vector<128x8xf32>
    %mul3A_320 = vector.broadcast %convert_element_type3A_318 : vector<128x1xf32> to vector<128x8xf32>
    %mul3A_321 = arith.mulf %slice3A_319, %mul3A_320 : vector<128x8xf32>
    %add3A_322 = arith.addf %add3A_313, %mul3A_321 : vector<128x8xf32>
    %eq3A_323 = arith.constant 3 : i32
    %eq3A_324 = vector.broadcast %eq3A_323 : i32 to vector<128x1xi32>
    %eq3A_325 = arith.cmpi eq, %get3A_293, %eq3A_324 : vector<128x1xi32>
    %convert_element_type3A_326 = arith.extui %eq3A_325 : vector<128x1xi1> to vector<128x1xi32>
    %convert_element_type3A_327 = arith.sitofp %convert_element_type3A_326 : vector<128x1xi32> to vector<128x1xf32>
    %slice3A_328 = vector.extract_strided_slice %get3A_290 {offsets = [0, 24], sizes = [128, 8], strides = [1, 1]} : vector<128x128xf32> to vector<128x8xf32>
    %mul3A_329 = vector.broadcast %convert_element_type3A_327 : vector<128x1xf32> to vector<128x8xf32>
    %mul3A_330 = arith.mulf %slice3A_328, %mul3A_329 : vector<128x8xf32>
    %add3A_331 = arith.addf %add3A_322, %mul3A_330 : vector<128x8xf32>
    %eq3A_332 = arith.constant 4 : i32
    %eq3A_333 = vector.broadcast %eq3A_332 : i32 to vector<128x1xi32>
    %eq3A_334 = arith.cmpi eq, %get3A_293, %eq3A_333 : vector<128x1xi32>
    %convert_element_type3A_335 = arith.extui %eq3A_334 : vector<128x1xi1> to vector<128x1xi32>
    %convert_element_type3A_336 = arith.sitofp %convert_element_type3A_335 : vector<128x1xi32> to vector<128x1xf32>
    %slice3A_337 = vector.extract_strided_slice %get3A_290 {offsets = [0, 32], sizes = [128, 8], strides = [1, 1]} : vector<128x128xf32> to vector<128x8xf32>
    %mul3A_338 = vector.broadcast %convert_element_type3A_336 : vector<128x1xf32> to vector<128x8xf32>
    %mul3A_339 = arith.mulf %slice3A_337, %mul3A_338 : vector<128x8xf32>
    %add3A_340 = arith.addf %add3A_331, %mul3A_339 : vector<128x8xf32>
    %eq3A_341 = arith.constant 5 : i32
    %eq3A_342 = vector.broadcast %eq3A_341 : i32 to vector<128x1xi32>
    %eq3A_343 = arith.cmpi eq, %get3A_293, %eq3A_342 : vector<128x1xi32>
    %convert_element_type3A_344 = arith.extui %eq3A_343 : vector<128x1xi1> to vector<128x1xi32>
    %convert_element_type3A_345 = arith.sitofp %convert_element_type3A_344 : vector<128x1xi32> to vector<128x1xf32>
    %slice3A_346 = vector.extract_strided_slice %get3A_290 {offsets = [0, 40], sizes = [128, 8], strides = [1, 1]} : vector<128x128xf32> to vector<128x8xf32>
    %mul3A_347 = vector.broadcast %convert_element_type3A_345 : vector<128x1xf32> to vector<128x8xf32>
    %mul3A_348 = arith.mulf %slice3A_346, %mul3A_347 : vector<128x8xf32>
    %add3A_349 = arith.addf %add3A_340, %mul3A_348 : vector<128x8xf32>
    %eq3A_350 = arith.constant 6 : i32
    %eq3A_351 = vector.broadcast %eq3A_350 : i32 to vector<128x1xi32>
    %eq3A_352 = arith.cmpi eq, %get3A_293, %eq3A_351 : vector<128x1xi32>
    %convert_element_type3A_353 = arith.extui %eq3A_352 : vector<128x1xi1> to vector<128x1xi32>
    %convert_element_type3A_354 = arith.sitofp %convert_element_type3A_353 : vector<128x1xi32> to vector<128x1xf32>
    %slice3A_355 = vector.extract_strided_slice %get3A_290 {offsets = [0, 48], sizes = [128, 8], strides = [1, 1]} : vector<128x128xf32> to vector<128x8xf32>
    %mul3A_356 = vector.broadcast %convert_element_type3A_354 : vector<128x1xf32> to vector<128x8xf32>
    %mul3A_357 = arith.mulf %slice3A_355, %mul3A_356 : vector<128x8xf32>
    %add3A_358 = arith.addf %add3A_349, %mul3A_357 : vector<128x8xf32>
    %eq3A_359 = arith.constant 7 : i32
    %eq3A_360 = vector.broadcast %eq3A_359 : i32 to vector<128x1xi32>
    %eq3A_361 = arith.cmpi eq, %get3A_293, %eq3A_360 : vector<128x1xi32>
    %convert_element_type3A_362 = arith.extui %eq3A_361 : vector<128x1xi1> to vector<128x1xi32>
    %convert_element_type3A_363 = arith.sitofp %convert_element_type3A_362 : vector<128x1xi32> to vector<128x1xf32>
    %slice3A_364 = vector.extract_strided_slice %get3A_290 {offsets = [0, 56], sizes = [128, 8], strides = [1, 1]} : vector<128x128xf32> to vector<128x8xf32>
    %mul3A_365 = vector.broadcast %convert_element_type3A_363 : vector<128x1xf32> to vector<128x8xf32>
    %mul3A_366 = arith.mulf %slice3A_364, %mul3A_365 : vector<128x8xf32>
    %add3A_367 = arith.addf %add3A_358, %mul3A_366 : vector<128x8xf32>
    %eq3A_368 = arith.constant 8 : i32
    %eq3A_369 = vector.broadcast %eq3A_368 : i32 to vector<128x1xi32>
    %eq3A_370 = arith.cmpi eq, %get3A_293, %eq3A_369 : vector<128x1xi32>
    %convert_element_type3A_371 = arith.extui %eq3A_370 : vector<128x1xi1> to vector<128x1xi32>
    %convert_element_type3A_372 = arith.sitofp %convert_element_type3A_371 : vector<128x1xi32> to vector<128x1xf32>
    %slice3A_373 = vector.extract_strided_slice %get3A_290 {offsets = [0, 64], sizes = [128, 8], strides = [1, 1]} : vector<128x128xf32> to vector<128x8xf32>
    %mul3A_374 = vector.broadcast %convert_element_type3A_372 : vector<128x1xf32> to vector<128x8xf32>
    %mul3A_375 = arith.mulf %slice3A_373, %mul3A_374 : vector<128x8xf32>
    %add3A_376 = arith.addf %add3A_367, %mul3A_375 : vector<128x8xf32>
    %eq3A_377 = arith.constant 9 : i32
    %eq3A_378 = vector.broadcast %eq3A_377 : i32 to vector<128x1xi32>
    %eq3A_379 = arith.cmpi eq, %get3A_293, %eq3A_378 : vector<128x1xi32>
    %convert_element_type3A_380 = arith.extui %eq3A_379 : vector<128x1xi1> to vector<128x1xi32>
    %convert_element_type3A_381 = arith.sitofp %convert_element_type3A_380 : vector<128x1xi32> to vector<128x1xf32>
    %slice3A_382 = vector.extract_strided_slice %get3A_290 {offsets = [0, 72], sizes = [128, 8], strides = [1, 1]} : vector<128x128xf32> to vector<128x8xf32>
    %mul3A_383 = vector.broadcast %convert_element_type3A_381 : vector<128x1xf32> to vector<128x8xf32>
    %mul3A_384 = arith.mulf %slice3A_382, %mul3A_383 : vector<128x8xf32>
    %add3A_385 = arith.addf %add3A_376, %mul3A_384 : vector<128x8xf32>
    %eq3A_386 = arith.constant 10 : i32
    %eq3A_387 = vector.broadcast %eq3A_386 : i32 to vector<128x1xi32>
    %eq3A_388 = arith.cmpi eq, %get3A_293, %eq3A_387 : vector<128x1xi32>
    %convert_element_type3A_389 = arith.extui %eq3A_388 : vector<128x1xi1> to vector<128x1xi32>
    %convert_element_type3A_390 = arith.sitofp %convert_element_type3A_389 : vector<128x1xi32> to vector<128x1xf32>
    %slice3A_391 = vector.extract_strided_slice %get3A_290 {offsets = [0, 80], sizes = [128, 8], strides = [1, 1]} : vector<128x128xf32> to vector<128x8xf32>
    %mul3A_392 = vector.broadcast %convert_element_type3A_390 : vector<128x1xf32> to vector<128x8xf32>
    %mul3A_393 = arith.mulf %slice3A_391, %mul3A_392 : vector<128x8xf32>
    %add3A_394 = arith.addf %add3A_385, %mul3A_393 : vector<128x8xf32>
    %eq3A_395 = arith.constant 11 : i32
    %eq3A_396 = vector.broadcast %eq3A_395 : i32 to vector<128x1xi32>
    %eq3A_397 = arith.cmpi eq, %get3A_293, %eq3A_396 : vector<128x1xi32>
    %convert_element_type3A_398 = arith.extui %eq3A_397 : vector<128x1xi1> to vector<128x1xi32>
    %convert_element_type3A_399 = arith.sitofp %convert_element_type3A_398 : vector<128x1xi32> to vector<128x1xf32>
    %slice3A_400 = vector.extract_strided_slice %get3A_290 {offsets = [0, 88], sizes = [128, 8], strides = [1, 1]} : vector<128x128xf32> to vector<128x8xf32>
    %mul3A_401 = vector.broadcast %convert_element_type3A_399 : vector<128x1xf32> to vector<128x8xf32>
    %mul3A_402 = arith.mulf %slice3A_400, %mul3A_401 : vector<128x8xf32>
    %add3A_403 = arith.addf %add3A_394, %mul3A_402 : vector<128x8xf32>
    %eq3A_404 = arith.constant 12 : i32
    %eq3A_405 = vector.broadcast %eq3A_404 : i32 to vector<128x1xi32>
    %eq3A_406 = arith.cmpi eq, %get3A_293, %eq3A_405 : vector<128x1xi32>
    %convert_element_type3A_407 = arith.extui %eq3A_406 : vector<128x1xi1> to vector<128x1xi32>
    %convert_element_type3A_408 = arith.sitofp %convert_element_type3A_407 : vector<128x1xi32> to vector<128x1xf32>
    %slice3A_409 = vector.extract_strided_slice %get3A_290 {offsets = [0, 96], sizes = [128, 8], strides = [1, 1]} : vector<128x128xf32> to vector<128x8xf32>
    %mul3A_410 = vector.broadcast %convert_element_type3A_408 : vector<128x1xf32> to vector<128x8xf32>
    %mul3A_411 = arith.mulf %slice3A_409, %mul3A_410 : vector<128x8xf32>
    %add3A_412 = arith.addf %add3A_403, %mul3A_411 : vector<128x8xf32>
    %eq3A_413 = arith.constant 13 : i32
    %eq3A_414 = vector.broadcast %eq3A_413 : i32 to vector<128x1xi32>
    %eq3A_415 = arith.cmpi eq, %get3A_293, %eq3A_414 : vector<128x1xi32>
    %convert_element_type3A_416 = arith.extui %eq3A_415 : vector<128x1xi1> to vector<128x1xi32>
    %convert_element_type3A_417 = arith.sitofp %convert_element_type3A_416 : vector<128x1xi32> to vector<128x1xf32>
    %slice3A_418 = vector.extract_strided_slice %get3A_290 {offsets = [0, 104], sizes = [128, 8], strides = [1, 1]} : vector<128x128xf32> to vector<128x8xf32>
    %mul3A_419 = vector.broadcast %convert_element_type3A_417 : vector<128x1xf32> to vector<128x8xf32>
    %mul3A_420 = arith.mulf %slice3A_418, %mul3A_419 : vector<128x8xf32>
    %add3A_421 = arith.addf %add3A_412, %mul3A_420 : vector<128x8xf32>
    %eq3A_422 = arith.constant 14 : i32
    %eq3A_423 = vector.broadcast %eq3A_422 : i32 to vector<128x1xi32>
    %eq3A_424 = arith.cmpi eq, %get3A_293, %eq3A_423 : vector<128x1xi32>
    %convert_element_type3A_425 = arith.extui %eq3A_424 : vector<128x1xi1> to vector<128x1xi32>
    %convert_element_type3A_426 = arith.sitofp %convert_element_type3A_425 : vector<128x1xi32> to vector<128x1xf32>
    %slice3A_427 = vector.extract_strided_slice %get3A_290 {offsets = [0, 112], sizes = [128, 8], strides = [1, 1]} : vector<128x128xf32> to vector<128x8xf32>
    %mul3A_428 = vector.broadcast %convert_element_type3A_426 : vector<128x1xf32> to vector<128x8xf32>
    %mul3A_429 = arith.mulf %slice3A_427, %mul3A_428 : vector<128x8xf32>
    %add3A_430 = arith.addf %add3A_421, %mul3A_429 : vector<128x8xf32>
    %eq3A_431 = arith.constant 15 : i32
    %eq3A_432 = vector.broadcast %eq3A_431 : i32 to vector<128x1xi32>
    %eq3A_433 = arith.cmpi eq, %get3A_293, %eq3A_432 : vector<128x1xi32>
    %convert_element_type3A_434 = arith.extui %eq3A_433 : vector<128x1xi1> to vector<128x1xi32>
    %convert_element_type3A_435 = arith.sitofp %convert_element_type3A_434 : vector<128x1xi32> to vector<128x1xf32>
    %slice3A_436 = vector.extract_strided_slice %get3A_290 {offsets = [0, 120], sizes = [128, 8], strides = [1, 1]} : vector<128x128xf32> to vector<128x8xf32>
    %mul3A_437 = vector.broadcast %convert_element_type3A_435 : vector<128x1xf32> to vector<128x8xf32>
    %mul3A_438 = arith.mulf %slice3A_436, %mul3A_437 : vector<128x8xf32>
    %add3A_439 = arith.addf %add3A_430, %mul3A_438 : vector<128x8xf32>
    %mul3A_440 = arith.mulf %add3A_439, %add3A_439 : vector<128x8xf32>
    %reduce_sum3A = arith.constant dense<0.000000e+00> : vector<128xf32>
    %reduce_sum3A_441 = vector.multi_reduction <add>, %mul3A_440, %reduce_sum3A [1] : vector<128x8xf32> to vector<128xf32>
    %broadcast_in_dim3A_442 = vector.shape_cast %reduce_sum3A_441 : vector<128xf32> to vector<128x1xf32>
    %sqrt3A = math.sqrt %broadcast_in_dim3A_442 : vector<128x1xf32>
    %max3A_443 = arith.constant 1.000000e-07 : f32
    %max3A_444 = vector.broadcast %max3A_443 : f32 to vector<128x1xf32>
    %max3A_445 = arith.maximumf %sqrt3A, %max3A_444 : vector<128x1xf32>
    %div3A_446 = arith.constant 5.000000e+00 : f32
    %div3A_447 = vector.broadcast %div3A_446 : f32 to vector<128x1xf32>
    %div3A_448 = arith.divf %div3A_447, %max3A_445 : vector<128x1xf32>
    %min3A = arith.constant 1.000000e+00 : f32
    %min3A_449 = vector.broadcast %min3A : f32 to vector<128x1xf32>
    %min3A_450 = arith.minimumf %min3A_449, %div3A_448 : vector<128x1xf32>
    %mul3A_451 = vector.broadcast %min3A_450 : vector<128x1xf32> to vector<128x8xf32>
    %mul3A_452 = arith.mulf %add3A_439, %mul3A_451 : vector<128x8xf32>
    %concatenate3A_453 = tpu.concatenate %mul3A_452, %add3A_287 in 1 : vector<128x8xf32>, vector<128x8xf32> -> vector<128x16xf32>
    %swap3A = arith.constant 0 : index
    %swap3A_454 = arith.constant 0 : index
    %swap3A_455 = vector.load %arg9[%swap3A, %swap3A_454] : memref<128x16xf32, #tpu.memory_space<vmem>>, vector<128x16xf32>
    tpu.vector_store %arg9[%swap3A, %swap3A_454], %concatenate3A_453 {strides = array<i32>} : memref<128x16xf32, #tpu.memory_space<vmem>>, vector<128x16xf32>,
    return
  }
  func.func @transform_0(%arg0: i32) -> (i32, i32) {
    %c0_i32 = arith.constant 0 : i32
    %c0_i32_0 = arith.constant 0 : i32
    return %arg0, %c0_i32 : i32, i32
  }
  func.func @transform_1(%arg0: i32) -> (i32, i32) {
    %c0_i32 = arith.constant 0 : i32
    %c0_i32_0 = arith.constant 0 : i32
    return %arg0, %c0_i32 : i32, i32
  }
  func.func @transform_2(%arg0: i32) -> (i32, i32) {
    %c0_i32 = arith.constant 0 : i32
    %c0_i32_0 = arith.constant 0 : i32
    return %arg0, %c0_i32 : i32, i32
  }
  func.func @transform_3(%arg0: i32) -> (i32, i32) {
    %c0_i32 = arith.constant 0 : i32
    %c0_i32_0 = arith.constant 0 : i32
    return %arg0, %c0_i32 : i32, i32
  }
  func.func @transform_4(%arg0: i32) -> (i32, i32) {
    %c0_i32 = arith.constant 0 : i32
    %c0_i32_0 = arith.constant 0 : i32
    %c0_i32_1 = arith.constant 0 : i32
    return %c0_i32, %c0_i32_0 : i32, i32
  }
  func.func @transform_5(%arg0: i32) -> (i32, i32) {
    %c0_i32 = arith.constant 0 : i32
    %c0_i32_0 = arith.constant 0 : i32
    %c0_i32_1 = arith.constant 0 : i32
    return %c0_i32, %c0_i32_0 : i32, i32
  }
  func.func @transform_6(%arg0: i32) -> (i32, i32) {
    %c0_i32 = arith.constant 0 : i32
    %c0_i32_0 = arith.constant 0 : i32
    %c0_i32_1 = arith.constant 0 : i32
    return %c0_i32, %c0_i32_0 : i32, i32
  }
  func.func @transform_7(%arg0: i32) -> (i32, i32) {
    %c0_i32 = arith.constant 0 : i32
    %c0_i32_0 = arith.constant 0 : i32
    %c0_i32_1 = arith.constant 0 : i32
    return %c0_i32, %c0_i32_0 : i32, i32
  }
  func.func @transform_8(%arg0: i32) -> (i32, i32) {
    %c0_i32 = arith.constant 0 : i32
    %c0_i32_0 = arith.constant 0 : i32
    return %arg0, %c0_i32 : i32, i32
  }
}

</mosaic_0001>

<sc_bundles>
// kernel: kernel.4.cloned.1.call-start
scs
__scs_entry_jumppad:
0x0: {  	(pc) =	sbr.rel $0x88, $3  }
0x1: {  	(tag) =	ssettag $0x0;
	lr =	simm.s32 $0x1  }
0x2: {  	[smem:$0x3F99] =	sst lr;
	_ =	strace $0xD0000000  }
0x3: {  	_ = 	snop  }
0x4: {  	_ = 	snop  }
0x5: {  	_ = 	snop  }
0x6: {  	_ = 	snop  }
0x7: {  	_ = 	snop  }
__scs_overlays_trampoline_lowered:
0x8: {  	[smem:$0x3FA8] =	sst s0  }
0x9: {  	[smem:$0x3FA9] =	sst s1  }
0xa: {  	[smem:$0x3FAA] =	sst s2  }
0xb: {  	[smem:$0x3FAB] =	sst s3  }
0xc: {  	[smem:$0x3FAC] =	sst s4  }
0xd: {  	[smem:$0x3FAD] =	sst s5  }
0xe: {  	[smem:$0x3FAE] =	sst s6  }
0xf: {  	[smem:$0x3FAF] =	sst s7  }
0x10: {  	[smem:$0x3FB0] =	sst s8  }
0x11: {  	[smem:$0x3FB1] =	sst s9;
	s0 =	simm.s32 @!p0 $0x0  }
0x12: {  	s1 =	sld [smem:$0x3F97];
	s0 =	simm.s32 @p0 $0x1  }
0x13: {  	[smem:$0x3FB2] =	sst s0;
	s0 =	simm.s32 @!p1 $0x0  }
0x14: {  	s2 =	sld [smem:$0x3F96];
	s0 =	simm.s32 @p1 $0x1  }
0x15: {  	[smem:$0x3FB3] =	sst s0;
	s0 =	simm.s32 @!p2 $0x0  }
0x16: {  	s3 =	sld [smem:$0x3FDB];
	s0 =	simm.s32 @p2 $0x1  }
0x17: {  	s4 =	simm.s32 $0x1BF5;
	[smem:$0x3FB5] =	sst s0  }
0x18: {  	s0 =	sld [smem:$0x3F98];
	_ =	swait.ge [sflag:s4], $0x0  }
0x19: {  	s7 =	sld [smem:$0x3F99]  }
0x1a: {  	s8 =	sadd.s32 $0xFFFFE003, lr  }
0x1b: {  	s9 =	sadd.s32 $0xFFFFFEF7, lr;
	s5 =	simm.s32 $0xFFFFFFFF;
	p2 =	slt.u32 s8, $0xFFFFF086  }
0x1c: {  	p1 =	slt.u32 s9, $0xF7A;
	s5 =	simm.s32 @!p2 $0x0  }
0x1d: {  	s5 =	simm.s32 @p1 $0x1;
	p0 =	seq.s32 s7, s2  }
0x1e: {  	s7 =	smul.u32 @!p0 $0xF7A, s2;
	p2 =	seq.s32 @!p0 s5, $0x0  }
0x1f: {  	s9 =	smul.u32 $0xF7A, s1;
	s8 =	simm.s32 @!p0 $0x1BF5;
	p2 =	por !p2, p0  }
0x20: {  	[sflag:s8] =	ssyncset.s32 @!p0 $0xFFFFF086;
	s6 =	sadd.s32 @!p0 s3, s7;
	s7 =	simm.s32 @!p0 $0x108  }
0x21: {  	s3 =	sadd.s32 s3, s9;
	s6 =	sadd.s32 @!p0 $0x88, s6;
	s7 =	simm.s32 @p2 $0x1082  }
0x22: {  	[simem:s7], [sflag:s8] =	dma.local @!p0 [hbm:s6], $0xF7A  }
0x23: {  	s9 =	sor.u32 $0xD0000000, s2;
	s6 =	simm.s32 $0x108;
	_ =	swait.ge @!p0 [sflag:s8], $0x0  }
0x24: {  	s3 =	sadd.s32 $0x88, s3;
	s6 =	simm.s32 @!p1 $0x1082;
	[sflag:s4] =	ssyncset.s32 $0xFFFFF086  }
0x25: {  	[simem:s6], [sflag:s4] =	dma.local [hbm:s3], $0xF7A  }
0x26: {  	[smem:$0x3F99] =	sst s1;
	(tag) =	ssettag s2;
	_ =	strace s9  }
0x27: {  	s1 =	sld [smem:$0x3FA9]  }
0x28: {  	s2 =	sld [smem:$0x3FAA]  }
0x29: {  	s4 =	sld [smem:$0x3FAC]  }
0x2a: {  	p0 =	seq.s32 s5, $0x0;
	s5 =	sld [smem:$0x3FAD]  }
0x2b: {  	s6 =	sld [smem:$0x3FAE]  }
0x2c: {  	s7 =	sld [smem:$0x3FAF]  }
0x2d: {  	s3 =	simm.s32 $0x108;
	s8 =	sld [smem:$0x3FB0]  }
0x2e: {  	s3 =	simm.s32 @!p0 $0x1082;
	s9 =	sld [smem:$0x3FB1]  }
0x2f: {  	lr =	sadd.s32 s0, s3;
	s0 =	sld [smem:$0x3FA8]  }
0x30: {  	s3 =	sld [smem:$0x3FAB]  }
0x31: {  	[smem:$0x3FB4] =	sst s10  }
0x32: {  	s10 =	sld [smem:$0x3FB2];
	_ =	sdelay $0x3  }
0x33: {  	p0 =	seq.s32 s10, $0x1;
	s10 =	sld [smem:$0x3FB4];
	_ =	sdelay $0x3  }
0x34: {  	[smem:$0x3FB4] =	sst s10  }
0x35: {  	s10 =	sld [smem:$0x3FB3];
	_ =	sdelay $0x3  }
0x36: {  	p1 =	seq.s32 s10, $0x1;
	s10 =	sld [smem:$0x3FB4];
	_ =	sdelay $0x3  }
0x37: {  	[smem:$0x3FB4] =	sst s10  }
0x38: {  	s10 =	sld [smem:$0x3FB5]  }
0x39: {  	_ = 	snop;
	(pc) =	sbr.ind lr, $3  }
0x3a: {  	_ = 	snop  }
0x3b: {  	_ = 	snop  }
0x3c: {  	p2 =	seq.s32 s10, $0x1;
	s10 =	sld [smem:$0x3FB4]  }
0x3d: {  	_ =	shalt  }
0x3e: {  	_ =	shalt  }
0x3f: {  	_ =	shalt  }
0x40: {  	_ =	shalt  }
0x41: {  	_ =	shalt  }
0x42: {  	_ =	shalt  }
0x43: {  	_ =	shalt  }
0x44: {  	_ =	shalt  }
0x45: {  	_ =	shalt  }
0x46: {  	_ =	shalt  }
0x47: {  	_ =	shalt  }
0x48: {  	_ =	shalt  }
0x49: {  	_ =	shalt  }
0x4a: {  	_ =	shalt  }
0x4b: {  	_ =	shalt  }
0x4c: {  	_ =	shalt  }
0x4d: {  	_ =	shalt  }
0x4e: {  	_ =	shalt  }
0x4f: {  	_ =	shalt  }
0x50: {  	_ =	shalt  }
0x51: {  	_ =	shalt  }
0x52: {  	_ =	shalt  }
0x53: {  	_ =	shalt  }
0x54: {  	_ =	shalt  }
0x55: {  	_ =	shalt  }
0x56: {  	_ =	shalt  }
0x57: {  	_ =	shalt  }
0x58: {  	_ =	shalt  }
0x59: {  	_ =	shalt  }
0x5a: {  	_ =	shalt  }
0x5b: {  	_ =	shalt  }
0x5c: {  	_ =	shalt  }
0x5d: {  	_ =	shalt  }
0x5e: {  	_ =	shalt  }
0x5f: {  	_ =	shalt  }
0x60: {  	_ =	shalt  }
0x61: {  	_ =	shalt  }
0x62: {  	_ =	shalt  }
0x63: {  	_ =	shalt  }
0x64: {  	_ =	shalt  }
0x65: {  	_ =	shalt  }
0x66: {  	_ =	shalt  }
0x67: {  	_ =	shalt  }
0x68: {  	_ =	shalt  }
0x69: {  	_ =	shalt  }
0x6a: {  	_ =	shalt  }
0x6b: {  	_ =	shalt  }
0x6c: {  	_ =	shalt  }
0x6d: {  	_ =	shalt  }
0x6e: {  	_ =	shalt  }
0x6f: {  	_ =	shalt  }
0x70: {  	_ =	shalt  }
0x71: {  	_ =	shalt  }
0x72: {  	_ =	shalt  }
0x73: {  	_ =	shalt  }
0x74: {  	_ =	shalt  }
0x75: {  	_ =	shalt  }
0x76: {  	_ =	shalt  }
0x77: {  	_ =	shalt  }
0x78: {  	_ =	shalt  }
0x79: {  	_ =	shalt  }
0x7a: {  	_ =	shalt  }
0x7b: {  	_ =	shalt  }
0x7c: {  	_ =	shalt  }
0x7d: {  	_ =	shalt  }
0x7e: {  	_ =	shalt  }
0x7f: {  	_ =	shalt  }
0x80: {  	_ =	shalt  }
0x81: {  	_ =	shalt  }
0x82: {  	_ =	shalt  }
0x83: {  	_ =	shalt  }
0x84: {  	_ =	shalt  }
0x85: {  	_ =	shalt  }
0x86: {  	_ =	shalt  }
0x87: {  	_ =	shalt  }
.Lfunc_end0:
.L_simem_size_0:
called_computation_lowered:
.L_overlay_start_0:
0x88: {  	s2 =	sld [smem:$0x3FD9]  }
0x89: {  	s3 =	sld [smem:$0x3FFE];
	_ =	sdelay $0x1  }
0x8a: {  	s1 =	srdreg.scid  }
0x8b: {  	s0 =	sand.u32 $0x1, s1  }
0x8c: {  	s17 =	sshll.u32 s0, $0xA;
	s2 =	sadd.s32 s3, s2  }
0x8d: {  	s2 =	sadd.s32 s2, s17  }
0x8e: {  	[smem:$0x3FC0] =	sst s2  }
0x8f: {  	_ = 	snop  }
0x90: {  	s2 =	sld [smem:$0x3FD0];
	(tm) =	ssettm $0x1  }
0x91: {  	s18 =	sld [smem:$0x3FFB];
	_ =	sdelay $0x3  }
0x92: {  	_ =	strace s18  }
0x93: {  	s3 =	sld [smem:$0x3FFC];
	_ =	sdelay $0x3  }
0x94: {  	_ =	strace s3  }
0x95: {  	s3 =	sld [smem:$0x3FFD];
	_ =	sdelay $0x3  }
0x96: {  	_ =	strace s3  }
0x97: {  	_ =	strace $0x8FFFFFFF  }
0x98: {  	s19 =	sld [smem:$0x3FDB];
	_ =	sdelay $0x1  }
0x99: {  	s4 =	simm.s32 $_scs_section_size  }
0x9a: {  	s5 =	simm.s32 $_size__tile_overlayer_lowered;
	s6 =	simm.s32 $_tile_overlayer_lowered  }
0x9b: {  	s22 =	simm.s32 $0x1BFF;
	s21 =	sshll.u32 s6, $0x1;
	s3 =	sadd.s32 s4, s19  }
0x9c: {  	s7 =	simm.s32 $0x0;
	s20 =	sshll.u32 s5, $0x1;
	s5 =	sadd.s32 s21, s3  }
0x9d: {  	[timem:s7], [sflag:s22] =	dma.local [hbm:s5], s20  }
0x9e: {  	_ =	swait.ge [sflag:s22], s20  }
0x9f: {  	s4 =	ssub.s32 $0x0, s20;
	[sflag:s22] =	ssyncset.done $0x0  }
0xa0: {  	[sflag:s22] =	ssyncadd.s32 s4;
	_ =	sdelay $0x1  }
0xa1: {  	s23 =	simm.s32 $0x1B8B  }
0xa2: {  	_ =	swait.ge [sflag:s23], $0x1  }
0xa3: {  	[sflag:s23] =	ssyncset.done $0x0  }
0xa4: {  	s25 =	simm.s32 $0x1B8E;
	s24 =	sld [smem:$0x3FFE];
	[sflag:s23] =	ssyncadd.s32 $0xFFFFFFFF  }
0xa5: {  	s26 =	simm.s32 $execute0_lowered;
	[smem:$0x3FD2] =	sst s25  }
0xa6: {  	s5 =	sshll.u32 s26, $0x1;
	_ =	strace $0x80000046;
	[dreg:$0x1] =	wrdreg $0xFFFFFFFF  }
0xa7: {  	s28 =	simm.s32 $_size_execute0_lowered;
	s3 =	sadd.s32 s3, s5;
	[dreg:$0x0] =	wrdreg $0x0  }
0xa8: {  	s5 =	sshll.u32 s28, $0x1;
	[dreg:$0x2] =	wrdreg s3  }
0xa9: {  	[dreg:$0x3] =	wrdreg s5  }
0xaa: {  	[dreg:$0x4] =	wrdreg $0xC0  }
0xab: {  	_ =	task [dreg:s7], $0x5FFFF  }
0xac: {  	[dreg:$0x1] =	wrdreg $0xFFFFFFFF  }
0xad: {  	[dreg:$0x0] =	wrdreg $0x60  }
0xae: {  	[dreg:$0x2] =	wrdreg s24  }
0xaf: {  	[dreg:$0x3] =	wrdreg s2  }
0xb0: {  	[dreg:$0x4] =	wrdreg $0x9  }
0xb1: {  	_ =	task.clear_ibuf [dreg:s7], $0x5FFFF;
	_ =	strace $0x90000046  }
0xb2: {  	s29 =	simm.s32 $0x9;
	_ =	strace $0x80000048  }
0xb3: {  	_ =	swait.ge [sflag:s29], $0x1  }
0xb4: {  	[sflag:s29] =	ssyncadd.s32 $0xFFFFFFFF  }
0xb5: {  	_ =	strace $0x90000048  }
0xb6: {  	_ =	sfence  }
0xb7: {  	s30 =	sld [smem:$0x0];
	_ =	sdelay $0x2  }
0xb8: {  	s31 =	sshll.u32 s1, $0xD;
	s1 =	sshrl.u32 s1, $0x2  }
0xb9: {  	s3 =	sand.u32 $0x4000, s31;
	s1 =	sadd.s32 s1, s30  }
0xba: {  	s0 =	sor.u32 s3, s0;
	s1 =	sshll.u32 s1, $0x11  }
0xbb: {  	s0 =	sor.u32 s1, s0  }
0xbc: {  	s0 =	sadd.s32 $0x8F2B, s0  }
0xbd: {  	[sflag:s0] =	ssyncadd.remote.s32 $0x1  }
0xbe: {  	_ =	sfence.sel $0xFFFF  }
0xbf: {  	[dreg:$0x0] =	wrdreg $0xFFFFFFFF;
	(pc) =	sbr.abs _section_cstart, $3  }
0xc0: {  	[dreg:$0x1] =	wrdreg $0xFFFFFFFF  }
0xc1: {  	_ =	task.clear_ibuf [dreg:s7], $0x2FFFF;
	_ =	strace $0x9FFFFFFF  }
0xc2: {  	(tm) =	ssettm $0x7FFFFFFF  }
0xc3: {  	_ =	shalt  }
tec
execute0_lowered:
.L_overlay_start_1:
0x0: {  	(tag) =	ssettag $0x1  }
0x1: {  	s1 =	srdreg.scid  }
0x2: {  	s8 =	rddreg [dreg:$0x0];
	s0 =	stileid.u32  }
0x3: {  	s3 =	rddreg [dreg:$0x1];
	s2 =	simm.s32 $0x0;
	s6 =	sand.u32 $0x1, s1  }
0x4: {  	s4 =	sshll.u32 s0, $0x8;
	s1 =	rddreg [dreg:$0x2];
	s5 =	sshll.u32 s6, $0x7  }
0x5: {  	s7 =	simm.s32 $0x1;
	[smem:$0x7FF] =	sst s2;
	s9 =	sor.u32 s5, s4  }
0x6: {  	_ =	strace $0x80000047;
	s10 =	ssub.s32 $0x2, s6;
	s4 =	sshrl.u32 s9, $0x3  }
0x7: {  	s6 =	simm.s32 $0x80;
	s4 =	sadd.s32 s3, s4;
	s3 =	simm.s32 $0x2  }
0x8: {  	[tilespmem:s2], [sflag:$0x2] =	stream.linear.gather [hbm4b:s4+s2], $0x80, $0x38;
	[tilespmem:$0x4080] =	vst v63  }
0x9: {  	s5 =	sadd.s32 $0x187C00, s8;
	s11 =	sshrl.u32 s10, $0x1;
	_ =	swait.ge [sflag:s3], $0x80  }
0xa: {  	s9 =	sshll.u32 s9, $0x4;
	s31 =	ssub.s32 s10, s11;
	[sflag:s3] =	ssyncset.done $0x0  }
0xb: {  	s8 =	sadd.s32 s9, s8;
	s9 =	smax.u32 s31, $0x1;
	[sflag:s3] =	ssyncadd.s32 $0xFFFFFF80  }
0xc: {  	[tilespmem:s6], [sflag:$0x1] =	stream.indirect.gather [hbm4b:s5+s6], $0x80, s2, s6, $0xb8;
	[tilespmem:$0x4080] =	vst v63  }
0xd: {  	p0 =	sne.s32 s9, $0x1;
	_ =	swait.ge [sflag:s7], $0x4000  }
.Ltmp0:
0xe: {  	[sflag:s7] =	ssyncset.done $0x0;
	(pc) =	sbr.rel @!p0 .LBB2_2-.Ltmp0, $4  }
0xf: {  	s8 =	sadd.s32 $0x1200, s8;
	[sflag:s7] =	ssyncadd.s32 $0xFFFFC000  }
0x10: {  	[hbm4b:s8+s2] =	stream.linear.scatter [tilespmem:s6], [sflag:$0x2], $0x4000, $0x38;
	[tilespmem:$0x4080] =	vst v63  }
0x11: {  	_ =	swait.ge [sflag:s3], $0x4000  }
0x12: {  	s9 =	sadd.s32 $0xFFFFFFFF, s9;
	[sflag:s3] =	ssyncset.done $0x0  }
.LBB2_1:
0x13: {  	p0 =	sne.s32 s9, $0x1;
	s9 =	sadd.s32 $0xFFFFFFFF, s9;
	[sflag:s3] =	ssyncadd.s32 $0xFFFFC000  }
0x14: {  	[tilespmem:s2], [sflag:$0x2] =	stream.linear.gather [hbm4b:s4+s2], $0x80, $0x38;
	[tilespmem:$0x4080] =	vst v63  }
0x15: {  	_ =	swait.ge [sflag:s3], $0x80  }
0x16: {  	[sflag:s3] =	ssyncset.done $0x0  }
0x17: {  	[sflag:s3] =	ssyncadd.s32 $0xFFFFFF80  }
0x18: {  	[tilespmem:s6], [sflag:$0x1] =	stream.indirect.gather [hbm4b:s5+s6], $0x80, s2, s6, $0xb8;
	[tilespmem:$0x4080] =	vst v63  }
0x19: {  	_ =	swait.ge [sflag:s7], $0x4000  }
.Ltmp1:
0x1a: {  	[sflag:s7] =	ssyncset.done $0x0;
	(pc) =	sbr.rel @p0 .LBB2_1-.Ltmp1, $4  }
0x1b: {  	[sflag:s7] =	ssyncadd.s32 $0xFFFFC000  }
0x1c: {  	[hbm4b:s8+s2] =	stream.linear.scatter [tilespmem:s6], [sflag:$0x2], $0x4000, $0x38;
	[tilespmem:$0x4080] =	vst v63  }
0x1d: {  	_ =	swait.ge [sflag:s3], $0x4000  }
0x1e: {  	[sflag:s3] =	ssyncset.done $0x0  }
.LBB2_2:
0x1f: {  	[sflag:s3] =	ssyncadd.s32 $0xFFFFC000  }
0x20: {  	_ =	sfence.sel $0x180000  }
0x21: {  	[bflag:$0x0] =	sbarrier.arrive $0xFFFF  }
0x22: {  	p0 =	sne.s32 s0, $0x0;
	_ =	strace $0x90000047  }
0x23: {  	s0 =	sadd.s32 @!p0 $0x100000, s1;
	[bflag:$0x2] =	sbarrier.arrive $0xFFFF  }
0x24: {  	[sflag:s0] =	ssyncadd.tile.s32 @!p0 $0x1;
	_ =	shalt  }
.Lfunc_end2:
_tile_overlayer_lowered:
.L_overlay_start_2:
0x25: {  	(tag) =	ssettag $0x2  }
0x26: {  	s0 =	rddreg [dreg:$0x0];
	s2 =	stileid.u32  }
0x27: {  	s1 =	rddreg [dreg:$0x1];
	p0 =	sne.s32 s2, $0x0  }
0x28: {  	s3 =	rddreg [dreg:$0x2];
	[bflag:$0x3] =	sbarrier.arrive $0xFFFF;
	s2 =	simm.s32 @!p0 $0x1C02  }
0x29: {  	[timem:s3], [sflag:s2] =	dma.local @!p0 [hbm:s0], s1  }
0x2a: {  	s0 =	simm.s32 @!p0 $0x2  }
0x2b: {  	_ =	swait.ge @!p0 [sflag:s0], s1  }
0x2c: {  	s1 =	ssub.s32 @!p0 $0x0, s1;
	[sflag:s0] =	ssyncset.done @!p0 $0x0  }
0x2d: {  	[sflag:s0] =	ssyncadd.s32 @!p0 s1  }
0x2e: {  	[bflag:$0x3] =	sbarrier.arrive $0xFFFF  }
0x2f: {  	_ =	shalt  }

</sc_bundles>
